<compile_context>
chip_gen: v7x
topology: tpu7x:2x2x1
jax: 0.10.2.dev20260603
libtpu: 0.0.44.dev20260713+nightly
codegen_flags: <defaults>
</compile_context>

<pallas_src>
import jax
import jax.numpy as jnp
from jax import lax
from jax.experimental import pallas as pl
from jax.experimental.pallas import tpu as pltpu
import jax.experimental.pallas.tpu_sc as plsc

NC = 2
NS = 16
NW = NC * NS
LANES = 128


def _sc_segment_sum(x, src_p, dst_p, zeros_rows, zeros_cnt, *, ch_per_tile,
                    n_acc, rpt, d):
    mesh = plsc.VectorSubcoreMesh(core_axis_name="c", subcore_axis_name="s")

    def body(x_hbm, src_hbm, dst_hbm, zr_hbm, zc_hbm, p_hbm, cnt_hbm,
             src_v, dst_v, rows_v, ones_v, acc_sh, cnt_sh, sem, sem2):
        c = lax.axis_index("c")
        s = lax.axis_index("s")
        wid = s * NC + c

        pltpu.sync_copy(zr_hbm, acc_sh.at[pl.ds(s * rpt, rpt)])

        @pl.when(s == 0)
        def _():
            pltpu.sync_copy(zc_hbm, cnt_sh)

        for i in range(LANES // 16):
            ones_v[pl.ds(i * 16, 16)] = jnp.ones((16,), jnp.float32)

        pltpu.sync_copy(src_hbm.at[wid], src_v)
        pltpu.sync_copy(dst_hbm.at[wid], dst_v)
        plsc.subcore_barrier()

        def chunk_body(ch, carry):
            pltpu.async_copy(x_hbm.at[src_v.at[ch]], rows_v, sem).wait()
            pltpu.sync_copy(rows_v, acc_sh.at[dst_v.at[ch]], add=True)

            @pl.when(ch > 0)
            def _():
                pltpu.make_async_copy(ones_v, cnt_sh.at[dst_v.at[ch]],
                                      sem2).wait()

            pltpu.async_copy(ones_v, cnt_sh.at[dst_v.at[ch]], sem2,
                             add=True)
            return carry

        lax.fori_loop(0, ch_per_tile, chunk_body, 0)
        pltpu.make_async_copy(ones_v, cnt_sh.at[dst_v.at[0]], sem2).wait()
        plsc.subcore_barrier()

        pltpu.sync_copy(acc_sh.at[pl.ds(s * rpt, rpt)],
                        p_hbm.at[c].at[pl.ds(s * rpt, rpt)])

        @pl.when(s == 0)
        def _():
            pltpu.sync_copy(cnt_sh, cnt_hbm.at[c])

    call = pl.kernel(
        body,
        out_type=[
            jax.ShapeDtypeStruct((NC, n_acc, d), jnp.float32),
            jax.ShapeDtypeStruct((NC, n_acc), jnp.float32),
        ],
        mesh=mesh,
        scratch_types=[
            pltpu.VMEM((ch_per_tile, LANES), jnp.int32),
            pltpu.VMEM((ch_per_tile, LANES), jnp.int32),
            pltpu.VMEM((LANES, d), jnp.float32),
            pltpu.VMEM((LANES,), jnp.float32),
            pltpu.VMEM_SHARED((n_acc, d), jnp.float32),
            pltpu.VMEM_SHARED((n_acc,), jnp.float32),
            pltpu.SemaphoreType.DMA,
            pltpu.SemaphoreType.DMA,
        ],
    )
    return call(x, src_p, dst_p, zeros_rows, zeros_cnt)


def _tc_combine(x, p, cnt2, W_self, b_self, W_nei, b_nei, *, blk):
    n, d = x.shape
    grid = (n // blk,)

    def body(x_ref, p0_ref, p1_ref, cnt_ref, ws_ref, bs_ref, wn_ref, bn_ref,
             o_ref):
        xs = x_ref[...]
        nsum = p0_ref[0] + p1_ref[0]
        cnt = cnt_ref[:, 0:1] + cnt_ref[:, 1:2]
        mean = nsum / jnp.maximum(cnt, 1.0)
        dn = (((1,), (1,)), ((), ()))
        selfx = lax.dot_general(xs, ws_ref[...], dn,
                                preferred_element_type=jnp.float32)
        selfx = selfx + bs_ref[...]
        nl = lax.dot_general(mean, wn_ref[...], dn,
                             preferred_element_type=jnp.float32)
        nl = nl + bn_ref[...]
        nl = jnp.where(cnt > 0.0, nl, 0.0)
        o_ref[...] = jnp.maximum(selfx + nl, 0.0)

    row_spec = pl.BlockSpec((blk, d), lambda i: (i, 0))
    full = pl.BlockSpec((d, d), lambda i: (0, 0))
    bias = pl.BlockSpec((1, d), lambda i: (0, 0))
    return pl.pallas_call(
        body,
        grid=grid,
        in_specs=[
            row_spec,
            pl.BlockSpec((1, blk, d), lambda i: (0, i, 0)),
            pl.BlockSpec((1, blk, d), lambda i: (1, i, 0)),
            pl.BlockSpec((blk, 2), lambda i: (i, 0)),
            full, bias, full, bias,
        ],
        out_specs=row_spec,
        out_shape=jax.ShapeDtypeStruct((n, d), jnp.float32),
    )(x, p, p, cnt2, W_self, b_self, W_nei, b_nei)


def kernel(x, edge_index, W_self, b_self, W_nei, b_nei):
    n, d = x.shape
    e = edge_index.shape[1]

    ch_per_tile = -(-e // (NW * LANES))
    e_pad = NW * ch_per_tile * LANES
    rpt = -(-(n + 1) // (NS * 8)) * 8
    n_acc = rpt * NS

    dst = edge_index[0]
    src = edge_index[1]
    src_p = jnp.concatenate([src, jnp.zeros((e_pad - e,), jnp.int32)])
    dst_p = jnp.concatenate([dst, jnp.full((e_pad - e,), n, jnp.int32)])
    src_p = src_p.reshape(NW, ch_per_tile, LANES)
    dst_p = dst_p.reshape(NW, ch_per_tile, LANES)
    zeros_rows = jnp.zeros((rpt, d), jnp.float32)
    zeros_cnt = jnp.zeros((n_acc,), jnp.float32)

    p, cnt = _sc_segment_sum(x, src_p, dst_p, zeros_rows, zeros_cnt,
                             ch_per_tile=ch_per_tile, n_acc=n_acc, rpt=rpt,
                             d=d)

    cnt2 = jnp.stack([cnt[0, :n], cnt[1, :n]], axis=1)
    return _tc_combine(x, p, cnt2, W_self,
                       b_self.reshape(1, d), W_nei, b_nei.reshape(1, d),
                       blk=2000)

# --- scband reference (transcript-rebuilt; emitter-appended) ---
"""Pipeline reference for scband-simple-refiner-24541443129997 (READ-ONLY COPY).

The authoritative reference and input builder live on the scoring server;
editing this copy changes nothing except your own understanding.
"""

import jax, jax.numpy as jnp
import numpy as np

N = 10000
D = 128
E = 320000

def setup_inputs(seed: int = 0) -> dict:
    key = jax.random.key(seed)
    k1, k2, k3, k4, k5 = jax.random.split(key, 5)
    x = jax.random.normal(k1, (N, D), dtype=jnp.float32)
    edge_index = jax.random.randint(k2, (2, E), 0, N, dtype=jnp.int32)
    # lin_self: weight initialized with eye_, bias with default Linear uniform init
    W_self = jnp.eye(D, dtype=jnp.float32)
    bound = 1.0 / np.sqrt(D)
    b_self = jax.random.uniform(k3, (D,), minval=-bound, maxval=bound, dtype=jnp.float32)
    # lin_nei: xavier_uniform weight, default bias
    limit = np.sqrt(6.0 / (D + D))
    W_nei = jax.random.uniform(k4, (D, D), minval=-limit, maxval=limit, dtype=jnp.float32)
    b_nei = jax.random.uniform(k5, (D,), minval=-bound, maxval=bound, dtype=jnp.float32)
    return {"x": x, "edge_index": edge_index, "W_self": W_self, "b_self": b_self, "W_nei": W_nei, "b_nei": b_nei}

def reference(x, edge_index, W_self, b_self, W_nei, b_nei):
    # adj list represented as edge_index: edge_index[0]=dst node i, edge_index[1]=src neighbor
    dst = edge_index[0]
    src = edge_index[1]
    n = x.shape[0]
    # self_x = lin_self(x)
    self_x = x @ W_self.T + b_self
    # per-node mean of neighbor features (gather + segment-sum / counts)
    nei_sum = jax.ops.segment_sum(x[src], dst, num_segments=n)
    counts = jax.ops.segment_sum(jnp.ones((src.shape[0],), dtype=x.dtype), dst, num_segments=n)
    nei_mean = nei_sum / jnp.maximum(counts, 1.0)[:, None]
    nei_lin = nei_mean @ W_nei.T + b_nei
    # nodes with no neighbors keep nei_acc = 0 (the loop skips them entirely)
    nei_acc = jnp.where(counts[:, None] > 0, nei_lin, jnp.zeros_like(nei_lin))
    return jax.nn.relu(self_x + nei_acc)

if __name__ == "__main__":
    import jax
    _d = setup_inputs()
    print(jax.jit(kernel)(*tuple(_d.values())))

</pallas_src>

<mosaic_0001>
#map = affine_map<(d0, d1) -> (0, 0)>
#map1 = affine_map<(d0, d1) -> (0, 0, 0)>
#map2 = affine_map<(d0, d1) -> (0)>
module attributes {stable_mosaic.version = 14 : i64} {
  func.func @body(%arg0: i32, %arg1: i32, %arg2: memref<10000x128xf32, #tpu.memory_space<hbm>>, %arg3: memref<32x79x128xi32, #tpu.memory_space<hbm>>, %arg4: memref<32x79x128xi32, #tpu.memory_space<hbm>>, %arg5: memref<632x128xf32, #tpu.memory_space<hbm>>, %arg6: memref<10112xf32, #tpu.memory_space<hbm>>, %arg7: memref<2x10112x128xf32, #tpu.memory_space<hbm>>, %arg8: memref<2x10112xf32, #tpu.memory_space<hbm>>, %arg9: memref<79x128xi32, #tpu.memory_space<vmem>>, %arg10: memref<79x128xi32, #tpu.memory_space<vmem>>, %arg11: memref<128x128xf32, #tpu.memory_space<vmem>>, %arg12: memref<128xf32, #tpu.memory_space<vmem>>, %arg13: memref<10112x128xf32, #tpu.memory_space<vmem_shared>>, %arg14: memref<10112xf32, #tpu.memory_space<vmem_shared>>, %arg15: memref<!tpu.dma_semaphore, #tpu.memory_space<semaphore_mem>>, %arg16: memref<!tpu.dma_semaphore, #tpu.memory_space<semaphore_mem>>) attributes {dimension_semantics = [#tpu.dimension_semantics<core_parallel>, #tpu.dimension_semantics<subcore_parallel>], iteration_bounds = array<i64: 2, 16>, scalar_prefetch = 0 : i64, scratch_operands = 8 : i64, tpu.core_type = #tpu.core_type<sc_vector_subcore>, window_params = [{transform_indices = #map}, {transform_indices = #map1}, {transform_indices = #map1}, {transform_indices = #map}, {transform_indices = #map2}, {transform_indices = #map1}, {transform_indices = #map}]} {
    %mul3A = arith.constant 2 : i32
    %mul3A_0 = arith.muli %arg1, %mul3A : i32
    %add3A = arith.addi %mul3A_0, %arg0 : i32
    %mul3A_1 = arith.constant 632 : i32
    %mul3A_2 = arith.muli %arg1, %mul3A_1 : i32
    "tpu.region"() ({
      %run_scoped3A = tpu.sem_alloc : memref<!tpu.dma_semaphore, #tpu.memory_space<semaphore_mem>>
      %dma_start3A = arith.constant 0 : i32
      %dma_start3A_71 = tpu.memref_slice %arg13[%mul3A_2, %dma_start3A] : memref<10112x128xf32, #tpu.memory_space<vmem_shared>> -> memref<632x128xf32, #tpu.memory_space<vmem_shared>>
      tpu.enqueue_dma source(%arg5 : memref<632x128xf32, #tpu.memory_space<hbm>>) target(%dma_start3A_71 : memref<632x128xf32, #tpu.memory_space<vmem_shared>>) target_semaphore(%run_scoped3A : memref<!tpu.dma_semaphore, #tpu.memory_space<semaphore_mem>>)
      %dma_wait3A_72 = arith.constant 0 : i32
      %dma_wait3A_73 = tpu.memref_slice %arg13[%mul3A_2, %dma_wait3A_72] : memref<10112x128xf32, #tpu.memory_space<vmem_shared>> -> memref<632x128xf32, #tpu.memory_space<vmem_shared>>
      tpu.wait_dma2 semaphore(%run_scoped3A : memref<!tpu.dma_semaphore, #tpu.memory_space<semaphore_mem>>) src(%arg5 : memref<632x128xf32, #tpu.memory_space<hbm>>) dst(%dma_wait3A_73 : memref<632x128xf32, #tpu.memory_space<vmem_shared>>)
      tpu.yield
    }) : () -> ()
    %eq3A = arith.constant 0 : i32
    %eq3A_3 = arith.cmpi eq, %arg1, %eq3A : i32
    %convert_element_type3A = arith.extui %eq3A_3 : i1 to i32
    %cond3A = arith.constant 0 : i32
    %cond3A_4 = arith.cmpi ne, %convert_element_type3A, %cond3A : i32
    scf.if %cond3A_4 {
      "tpu.region"() ({
        %run_scoped3A = tpu.sem_alloc : memref<!tpu.dma_semaphore, #tpu.memory_space<semaphore_mem>>
        tpu.enqueue_dma source(%arg6 : memref<10112xf32, #tpu.memory_space<hbm>>) target(%arg14 : memref<10112xf32, #tpu.memory_space<vmem_shared>>) target_semaphore(%run_scoped3A : memref<!tpu.dma_semaphore, #tpu.memory_space<semaphore_mem>>)
        tpu.wait_dma2 semaphore(%run_scoped3A : memref<!tpu.dma_semaphore, #tpu.memory_space<semaphore_mem>>) src(%arg6 : memref<10112xf32, #tpu.memory_space<hbm>>) dst(%arg14 : memref<10112xf32, #tpu.memory_space<vmem_shared>>)
        tpu.yield
      }) : () -> ()
    } else {
    }
    %broadcast_in_dim3A = arith.constant 1.000000e+00 : f32
    %broadcast_in_dim3A_5 = vector.broadcast %broadcast_in_dim3A : f32 to vector<16xf32>
    %swap3A = arith.constant 0 : index
    %swap3A_6 = tpu.vector_load %arg12[%swap3A] {strides = array<i32>} : memref<128xf32, #tpu.memory_space<vmem>>, vector<16xf32>,
    %swap3A_7 = vector.shape_cast %swap3A_6 : vector<16xf32> to vector<16xf32>
    %swap3A_8 = vector.shape_cast %broadcast_in_dim3A_5 : vector<16xf32> to vector<16xf32>
    tpu.vector_store %arg12[%swap3A], %swap3A_8 {strides = array<i32>} : memref<128xf32, #tpu.memory_space<vmem>>, vector<16xf32>,
    %broadcast_in_dim3A_9 = arith.constant 1.000000e+00 : f32
    %broadcast_in_dim3A_10 = vector.broadcast %broadcast_in_dim3A_9 : f32 to vector<16xf32>
    %swap3A_11 = arith.constant 16 : index
    %swap3A_12 = tpu.vector_load %arg12[%swap3A_11] {strides = array<i32>} : memref<128xf32, #tpu.memory_space<vmem>>, vector<16xf32>,
    %swap3A_13 = vector.shape_cast %swap3A_12 : vector<16xf32> to vector<16xf32>
    %swap3A_14 = vector.shape_cast %broadcast_in_dim3A_10 : vector<16xf32> to vector<16xf32>
    tpu.vector_store %arg12[%swap3A_11], %swap3A_14 {strides = array<i32>} : memref<128xf32, #tpu.memory_space<vmem>>, vector<16xf32>,
    %broadcast_in_dim3A_15 = arith.constant 1.000000e+00 : f32
    %broadcast_in_dim3A_16 = vector.broadcast %broadcast_in_dim3A_15 : f32 to vector<16xf32>
    %swap3A_17 = arith.constant 32 : index
    %swap3A_18 = tpu.vector_load %arg12[%swap3A_17] {strides = array<i32>} : memref<128xf32, #tpu.memory_space<vmem>>, vector<16xf32>,
    %swap3A_19 = vector.shape_cast %swap3A_18 : vector<16xf32> to vector<16xf32>
    %swap3A_20 = vector.shape_cast %broadcast_in_dim3A_16 : vector<16xf32> to vector<16xf32>
    tpu.vector_store %arg12[%swap3A_17], %swap3A_20 {strides = array<i32>} : memref<128xf32, #tpu.memory_space<vmem>>, vector<16xf32>,
    %broadcast_in_dim3A_21 = arith.constant 1.000000e+00 : f32
    %broadcast_in_dim3A_22 = vector.broadcast %broadcast_in_dim3A_21 : f32 to vector<16xf32>
    %swap3A_23 = arith.constant 48 : index
    %swap3A_24 = tpu.vector_load %arg12[%swap3A_23] {strides = array<i32>} : memref<128xf32, #tpu.memory_space<vmem>>, vector<16xf32>,
    %swap3A_25 = vector.shape_cast %swap3A_24 : vector<16xf32> to vector<16xf32>
    %swap3A_26 = vector.shape_cast %broadcast_in_dim3A_22 : vector<16xf32> to vector<16xf32>
    tpu.vector_store %arg12[%swap3A_23], %swap3A_26 {strides = array<i32>} : memref<128xf32, #tpu.memory_space<vmem>>, vector<16xf32>,
    %broadcast_in_dim3A_27 = arith.constant 1.000000e+00 : f32
    %broadcast_in_dim3A_28 = vector.broadcast %broadcast_in_dim3A_27 : f32 to vector<16xf32>
    %swap3A_29 = arith.constant 64 : index
    %swap3A_30 = tpu.vector_load %arg12[%swap3A_29] {strides = array<i32>} : memref<128xf32, #tpu.memory_space<vmem>>, vector<16xf32>,
    %swap3A_31 = vector.shape_cast %swap3A_30 : vector<16xf32> to vector<16xf32>
    %swap3A_32 = vector.shape_cast %broadcast_in_dim3A_28 : vector<16xf32> to vector<16xf32>
    tpu.vector_store %arg12[%swap3A_29], %swap3A_32 {strides = array<i32>} : memref<128xf32, #tpu.memory_space<vmem>>, vector<16xf32>,
    %broadcast_in_dim3A_33 = arith.constant 1.000000e+00 : f32
    %broadcast_in_dim3A_34 = vector.broadcast %broadcast_in_dim3A_33 : f32 to vector<16xf32>
    %swap3A_35 = arith.constant 80 : index
    %swap3A_36 = tpu.vector_load %arg12[%swap3A_35] {strides = array<i32>} : memref<128xf32, #tpu.memory_space<vmem>>, vector<16xf32>,
    %swap3A_37 = vector.shape_cast %swap3A_36 : vector<16xf32> to vector<16xf32>
    %swap3A_38 = vector.shape_cast %broadcast_in_dim3A_34 : vector<16xf32> to vector<16xf32>
    tpu.vector_store %arg12[%swap3A_35], %swap3A_38 {strides = array<i32>} : memref<128xf32, #tpu.memory_space<vmem>>, vector<16xf32>,
    %broadcast_in_dim3A_39 = arith.constant 1.000000e+00 : f32
    %broadcast_in_dim3A_40 = vector.broadcast %broadcast_in_dim3A_39 : f32 to vector<16xf32>
    %swap3A_41 = arith.constant 96 : index
    %swap3A_42 = tpu.vector_load %arg12[%swap3A_41] {strides = array<i32>} : memref<128xf32, #tpu.memory_space<vmem>>, vector<16xf32>,
    %swap3A_43 = vector.shape_cast %swap3A_42 : vector<16xf32> to vector<16xf32>
    %swap3A_44 = vector.shape_cast %broadcast_in_dim3A_40 : vector<16xf32> to vector<16xf32>
    tpu.vector_store %arg12[%swap3A_41], %swap3A_44 {strides = array<i32>} : memref<128xf32, #tpu.memory_space<vmem>>, vector<16xf32>,
    %broadcast_in_dim3A_45 = arith.constant 1.000000e+00 : f32
    %broadcast_in_dim3A_46 = vector.broadcast %broadcast_in_dim3A_45 : f32 to vector<16xf32>
    %swap3A_47 = arith.constant 112 : index
    %swap3A_48 = tpu.vector_load %arg12[%swap3A_47] {strides = array<i32>} : memref<128xf32, #tpu.memory_space<vmem>>, vector<16xf32>,
    %swap3A_49 = vector.shape_cast %swap3A_48 : vector<16xf32> to vector<16xf32>
    %swap3A_50 = vector.shape_cast %broadcast_in_dim3A_46 : vector<16xf32> to vector<16xf32>
    tpu.vector_store %arg12[%swap3A_47], %swap3A_50 {strides = array<i32>} : memref<128xf32, #tpu.memory_space<vmem>>, vector<16xf32>,
    "tpu.region"() ({
      %run_scoped3A = tpu.sem_alloc : memref<!tpu.dma_semaphore, #tpu.memory_space<semaphore_mem>>
      %dma_start3A = arith.constant 0 : i32
      %dma_start3A_71 = arith.constant 0 : i32
      %dma_start3A_72 = tpu.memref_slice %arg3[%add3A, %dma_start3A, %dma_start3A_71] : memref<32x79x128xi32, #tpu.memory_space<hbm>> -> memref<1x79x128xi32, #tpu.memory_space<hbm>>
      %dma_start3A_73 = tpu.memref_squeeze %dma_start3A_72 : memref<1x79x128xi32, #tpu.memory_space<hbm>> -> memref<79x128xi32, #tpu.memory_space<hbm>>
      %dma_start3A_74 = arith.constant 0 : i32
      %dma_start3A_75 = arith.constant 0 : i32
      %dma_start3A_76 = tpu.memref_slice %arg3[%add3A, %dma_start3A_74, %dma_start3A_75] : memref<32x79x128xi32, #tpu.memory_space<hbm>> -> memref<1x79x128xi32, #tpu.memory_space<hbm>>
      %dma_start3A_77 = tpu.memref_squeeze %dma_start3A_76 : memref<1x79x128xi32, #tpu.memory_space<hbm>> -> memref<79x128xi32, #tpu.memory_space<hbm>>
      tpu.enqueue_dma source(%dma_start3A_77 : memref<79x128xi32, #tpu.memory_space<hbm>>) target(%arg9 : memref<79x128xi32, #tpu.memory_space<vmem>>) target_semaphore(%run_scoped3A : memref<!tpu.dma_semaphore, #tpu.memory_space<semaphore_mem>>)
      %dma_wait3A_78 = arith.constant 0 : i32
      %dma_wait3A_79 = arith.constant 0 : i32
      %dma_wait3A_80 = tpu.memref_slice %arg3[%add3A, %dma_wait3A_78, %dma_wait3A_79] : memref<32x79x128xi32, #tpu.memory_space<hbm>> -> memref<1x79x128xi32, #tpu.memory_space<hbm>>
      %dma_wait3A_81 = tpu.memref_squeeze %dma_wait3A_80 : memref<1x79x128xi32, #tpu.memory_space<hbm>> -> memref<79x128xi32, #tpu.memory_space<hbm>>
      %dma_wait3A_82 = arith.constant 0 : i32
      %dma_wait3A_83 = arith.constant 0 : i32
      %dma_wait3A_84 = tpu.memref_slice %arg3[%add3A, %dma_wait3A_82, %dma_wait3A_83] : memref<32x79x128xi32, #tpu.memory_space<hbm>> -> memref<1x79x128xi32, #tpu.memory_space<hbm>>
      %dma_wait3A_85 = tpu.memref_squeeze %dma_wait3A_84 : memref<1x79x128xi32, #tpu.memory_space<hbm>> -> memref<79x128xi32, #tpu.memory_space<hbm>>
      tpu.wait_dma2 semaphore(%run_scoped3A : memref<!tpu.dma_semaphore, #tpu.memory_space<semaphore_mem>>) src(%dma_wait3A_85 : memref<79x128xi32, #tpu.memory_space<hbm>>) dst(%arg9 : memref<79x128xi32, #tpu.memory_space<vmem>>)
      tpu.yield
    }) : () -> ()
    "tpu.region"() ({
      %run_scoped3A = tpu.sem_alloc : memref<!tpu.dma_semaphore, #tpu.memory_space<semaphore_mem>>
      %dma_start3A = arith.constant 0 : i32
      %dma_start3A_71 = arith.constant 0 : i32
      %dma_start3A_72 = tpu.memref_slice %arg4[%add3A, %dma_start3A, %dma_start3A_71] : memref<32x79x128xi32, #tpu.memory_space<hbm>> -> memref<1x79x128xi32, #tpu.memory_space<hbm>>
      %dma_start3A_73 = tpu.memref_squeeze %dma_start3A_72 : memref<1x79x128xi32, #tpu.memory_space<hbm>> -> memref<79x128xi32, #tpu.memory_space<hbm>>
      %dma_start3A_74 = arith.constant 0 : i32
      %dma_start3A_75 = arith.constant 0 : i32
      %dma_start3A_76 = tpu.memref_slice %arg4[%add3A, %dma_start3A_74, %dma_start3A_75] : memref<32x79x128xi32, #tpu.memory_space<hbm>> -> memref<1x79x128xi32, #tpu.memory_space<hbm>>
      %dma_start3A_77 = tpu.memref_squeeze %dma_start3A_76 : memref<1x79x128xi32, #tpu.memory_space<hbm>> -> memref<79x128xi32, #tpu.memory_space<hbm>>
      tpu.enqueue_dma source(%dma_start3A_77 : memref<79x128xi32, #tpu.memory_space<hbm>>) target(%arg10 : memref<79x128xi32, #tpu.memory_space<vmem>>) target_semaphore(%run_scoped3A : memref<!tpu.dma_semaphore, #tpu.memory_space<semaphore_mem>>)
      %dma_wait3A_78 = arith.constant 0 : i32
      %dma_wait3A_79 = arith.constant 0 : i32
      %dma_wait3A_80 = tpu.memref_slice %arg4[%add3A, %dma_wait3A_78, %dma_wait3A_79] : memref<32x79x128xi32, #tpu.memory_space<hbm>> -> memref<1x79x128xi32, #tpu.memory_space<hbm>>
      %dma_wait3A_81 = tpu.memref_squeeze %dma_wait3A_80 : memref<1x79x128xi32, #tpu.memory_space<hbm>> -> memref<79x128xi32, #tpu.memory_space<hbm>>
      %dma_wait3A_82 = arith.constant 0 : i32
      %dma_wait3A_83 = arith.constant 0 : i32
      %dma_wait3A_84 = tpu.memref_slice %arg4[%add3A, %dma_wait3A_82, %dma_wait3A_83] : memref<32x79x128xi32, #tpu.memory_space<hbm>> -> memref<1x79x128xi32, #tpu.memory_space<hbm>>
      %dma_wait3A_85 = tpu.memref_squeeze %dma_wait3A_84 : memref<1x79x128xi32, #tpu.memory_space<hbm>> -> memref<79x128xi32, #tpu.memory_space<hbm>>
      tpu.wait_dma2 semaphore(%run_scoped3A : memref<!tpu.dma_semaphore, #tpu.memory_space<semaphore_mem>>) src(%dma_wait3A_85 : memref<79x128xi32, #tpu.memory_space<hbm>>) dst(%arg10 : memref<79x128xi32, #tpu.memory_space<vmem>>)
      tpu.yield
    }) : () -> ()
    %barrier3A = arith.constant 0 : index
    tpu.barrier barrier_id(%barrier3A)
    %scan3A = arith.constant 0 : i32
    %scan3A_51 = arith.constant 0 : i32
    %scan3A_52 = arith.constant 79 : i32
    %scan3A_53 = arith.addi %scan3A_51, %scan3A_52 : i32
    %scan3A_54 = arith.constant 1 : i32
    scf.for %scan3A_71 = %scan3A_51 to %scan3A_53 step %scan3A_54  : i32 {
      %dma_start3A = arith.constant 0 : i32
      %dma_start3A_72 = tpu.memref_slice %arg9[%scan3A_71, %dma_start3A] : memref<79x128xi32, #tpu.memory_space<vmem>> -> memref<1x128xi32, #tpu.memory_space<vmem>>
      %dma_start3A_73 = tpu.memref_squeeze %dma_start3A_72 : memref<1x128xi32, #tpu.memory_space<vmem>> -> memref<128xi32, #tpu.memory_space<vmem>>
      %dma_start3A_74 = arith.constant 0 : i32
      %dma_start3A_75 = arith.constant 0 : i32
      %dma_start3A_76 = tpu.memref_slice %arg2[%dma_start3A_74, %dma_start3A_75] : memref<10000x128xf32, #tpu.memory_space<hbm>> -> memref<10000x128xf32, #tpu.memory_space<hbm>>
      tpu.enqueue_indirect_dma source(%dma_start3A_76 : memref<10000x128xf32, #tpu.memory_space<hbm>>) target(%arg11 : memref<128x128xf32, #tpu.memory_space<vmem>>) offsets(%dma_start3A_73 : memref<128xi32, #tpu.memory_space<vmem>>) semaphore(%arg15 : memref<!tpu.dma_semaphore, #tpu.memory_space<semaphore_mem>>)
      %dma_wait3A_77 = arith.constant 0 : i32
      %dma_wait3A_78 = tpu.memref_slice %arg9[%scan3A_71, %dma_wait3A_77] : memref<79x128xi32, #tpu.memory_space<vmem>> -> memref<1x128xi32, #tpu.memory_space<vmem>>
      %dma_wait3A_79 = tpu.memref_squeeze %dma_wait3A_78 : memref<1x128xi32, #tpu.memory_space<vmem>> -> memref<128xi32, #tpu.memory_space<vmem>>
      %dma_wait3A_80 = arith.constant 0 : i32
      %dma_wait3A_81 = arith.constant 0 : i32
      %dma_wait3A_82 = tpu.memref_slice %arg2[%dma_wait3A_80, %dma_wait3A_81] : memref<10000x128xf32, #tpu.memory_space<hbm>> -> memref<10000x128xf32, #tpu.memory_space<hbm>>
      tpu.wait_indirect_dma semaphore(%arg15 : memref<!tpu.dma_semaphore, #tpu.memory_space<semaphore_mem>>) src(%dma_wait3A_82 : memref<10000x128xf32, #tpu.memory_space<hbm>>) dst(%arg11 : memref<128x128xf32, #tpu.memory_space<vmem>>)
      "tpu.region"() ({
        %run_scoped3A = tpu.sem_alloc : memref<!tpu.dma_semaphore, #tpu.memory_space<semaphore_mem>>
        %dma_start3A_92 = arith.constant 0 : i32
        %dma_start3A_93 = tpu.memref_slice %arg10[%scan3A_71, %dma_start3A_92] : memref<79x128xi32, #tpu.memory_space<vmem>> -> memref<1x128xi32, #tpu.memory_space<vmem>>
        %dma_start3A_94 = tpu.memref_squeeze %dma_start3A_93 : memref<1x128xi32, #tpu.memory_space<vmem>> -> memref<128xi32, #tpu.memory_space<vmem>>
        %dma_start3A_95 = arith.constant 0 : i32
        %dma_start3A_96 = arith.constant 0 : i32
        %dma_start3A_97 = tpu.memref_slice %arg13[%dma_start3A_95, %dma_start3A_96] : memref<10112x128xf32, #tpu.memory_space<vmem_shared>> -> memref<10112x128xf32, #tpu.memory_space<vmem_shared>>
        tpu.enqueue_indirect_dma source(%arg11 : memref<128x128xf32, #tpu.memory_space<vmem>>) target(%dma_start3A_97 : memref<10112x128xf32, #tpu.memory_space<vmem_shared>>) offsets(%dma_start3A_94 : memref<128xi32, #tpu.memory_space<vmem>>) semaphore(%run_scoped3A : memref<!tpu.dma_semaphore, #tpu.memory_space<semaphore_mem>>) {add = true}
        %dma_wait3A_98 = arith.constant 0 : i32
        %dma_wait3A_99 = tpu.memref_slice %arg10[%scan3A_71, %dma_wait3A_98] : memref<79x128xi32, #tpu.memory_space<vmem>> -> memref<1x128xi32, #tpu.memory_space<vmem>>
        %dma_wait3A_100 = tpu.memref_squeeze %dma_wait3A_99 : memref<1x128xi32, #tpu.memory_space<vmem>> -> memref<128xi32, #tpu.memory_space<vmem>>
        %dma_wait3A_101 = arith.constant 0 : i32
        %dma_wait3A_102 = arith.constant 0 : i32
        %dma_wait3A_103 = tpu.memref_slice %arg13[%dma_wait3A_101, %dma_wait3A_102] : memref<10112x128xf32, #tpu.memory_space<vmem_shared>> -> memref<10112x128xf32, #tpu.memory_space<vmem_shared>>
        tpu.wait_indirect_dma semaphore(%run_scoped3A : memref<!tpu.dma_semaphore, #tpu.memory_space<semaphore_mem>>) src(%arg11 : memref<128x128xf32, #tpu.memory_space<vmem>>) dst(%dma_wait3A_103 : memref<10112x128xf32, #tpu.memory_space<vmem_shared>>)
        tpu.yield
      }) : () -> ()
      %gt3A = arith.constant 0 : i32
      %gt3A_83 = arith.cmpi sgt, %scan3A_71, %gt3A : i32
      %convert_element_type3A_84 = arith.extui %gt3A_83 : i1 to i32
      %cond3A_85 = arith.constant 0 : i32
      %cond3A_86 = arith.cmpi ne, %convert_element_type3A_84, %cond3A_85 : i32
      scf.if %cond3A_86 {
        %dma_wait3A_92 = arith.constant 0 : i32
        %dma_wait3A_93 = tpu.memref_slice %arg10[%scan3A_71, %dma_wait3A_92] : memref<79x128xi32, #tpu.memory_space<vmem>> -> memref<1x128xi32, #tpu.memory_space<vmem>>
        %dma_wait3A_94 = tpu.memref_squeeze %dma_wait3A_93 : memref<1x128xi32, #tpu.memory_space<vmem>> -> memref<128xi32, #tpu.memory_space<vmem>>
        %dma_wait3A_95 = arith.constant 0 : i32
        %dma_wait3A_96 = tpu.memref_slice %arg14[%dma_wait3A_95] : memref<10112xf32, #tpu.memory_space<vmem_shared>> -> memref<10112xf32, #tpu.memory_space<vmem_shared>>
        tpu.wait_indirect_dma semaphore(%arg16 : memref<!tpu.dma_semaphore, #tpu.memory_space<semaphore_mem>>) src(%arg12 : memref<128xf32, #tpu.memory_space<vmem>>) dst(%dma_wait3A_96 : memref<10112xf32, #tpu.memory_space<vmem_shared>>)
      } else {
      }
      %dma_start3A_87 = arith.constant 0 : i32
      %dma_start3A_88 = tpu.memref_slice %arg10[%scan3A_71, %dma_start3A_87] : memref<79x128xi32, #tpu.memory_space<vmem>> -> memref<1x128xi32, #tpu.memory_space<vmem>>
      %dma_start3A_89 = tpu.memref_squeeze %dma_start3A_88 : memref<1x128xi32, #tpu.memory_space<vmem>> -> memref<128xi32, #tpu.memory_space<vmem>>
      %dma_start3A_90 = arith.constant 0 : i32
      %dma_start3A_91 = tpu.memref_slice %arg14[%dma_start3A_90] : memref<10112xf32, #tpu.memory_space<vmem_shared>> -> memref<10112xf32, #tpu.memory_space<vmem_shared>>
      tpu.enqueue_indirect_dma source(%arg12 : memref<128xf32, #tpu.memory_space<vmem>>) target(%dma_start3A_91 : memref<10112xf32, #tpu.memory_space<vmem_shared>>) offsets(%dma_start3A_89 : memref<128xi32, #tpu.memory_space<vmem>>) semaphore(%arg16 : memref<!tpu.dma_semaphore, #tpu.memory_space<semaphore_mem>>) {add = true}
    }
    %scan3A_55 = arith.constant 79 : i32
    %dma_wait3A = arith.constant 0 : i32
    %dma_wait3A_56 = arith.constant 0 : i32
    %dma_wait3A_57 = tpu.memref_slice %arg10[%dma_wait3A, %dma_wait3A_56] : memref<79x128xi32, #tpu.memory_space<vmem>> -> memref<1x128xi32, #tpu.memory_space<vmem>>
    %dma_wait3A_58 = tpu.memref_squeeze %dma_wait3A_57 : memref<1x128xi32, #tpu.memory_space<vmem>> -> memref<128xi32, #tpu.memory_space<vmem>>
    %dma_wait3A_59 = arith.constant 0 : i32
    %dma_wait3A_60 = tpu.memref_slice %arg14[%dma_wait3A_59] : memref<10112xf32, #tpu.memory_space<vmem_shared>> -> memref<10112xf32, #tpu.memory_space<vmem_shared>>
    tpu.wait_indirect_dma semaphore(%arg16 : memref<!tpu.dma_semaphore, #tpu.memory_space<semaphore_mem>>) src(%arg12 : memref<128xf32, #tpu.memory_space<vmem>>) dst(%dma_wait3A_60 : memref<10112xf32, #tpu.memory_space<vmem_shared>>)
    %barrier3A_61 = arith.constant 0 : index
    tpu.barrier barrier_id(%barrier3A_61)
    %mul3A_62 = arith.constant 632 : i32
    %mul3A_63 = arith.muli %arg1, %mul3A_62 : i32
    %mul3A_64 = arith.constant 632 : i32
    %mul3A_65 = arith.muli %arg1, %mul3A_64 : i32
    "tpu.region"() ({
      %run_scoped3A = tpu.sem_alloc : memref<!tpu.dma_semaphore, #tpu.memory_space<semaphore_mem>>
      %dma_start3A = arith.constant 0 : i32
      %dma_start3A_71 = arith.constant 0 : i32
      %dma_start3A_72 = tpu.memref_slice %arg7[%arg0, %dma_start3A, %dma_start3A_71] : memref<2x10112x128xf32, #tpu.memory_space<hbm>> -> memref<1x10112x128xf32, #tpu.memory_space<hbm>>
      %dma_start3A_73 = tpu.memref_squeeze %dma_start3A_72 : memref<1x10112x128xf32, #tpu.memory_space<hbm>> -> memref<10112x128xf32, #tpu.memory_space<hbm>>
      %dma_start3A_74 = arith.constant 0 : i32
      %dma_start3A_75 = tpu.memref_slice %dma_start3A_73[%mul3A_65, %dma_start3A_74] : memref<10112x128xf32, #tpu.memory_space<hbm>> -> memref<632x128xf32, #tpu.memory_space<hbm>>
      %dma_start3A_76 = arith.constant 0 : i32
      %dma_start3A_77 = tpu.memref_slice %arg13[%mul3A_63, %dma_start3A_76] : memref<10112x128xf32, #tpu.memory_space<vmem_shared>> -> memref<632x128xf32, #tpu.memory_space<vmem_shared>>
      tpu.enqueue_dma source(%dma_start3A_77 : memref<632x128xf32, #tpu.memory_space<vmem_shared>>) target(%dma_start3A_75 : memref<632x128xf32, #tpu.memory_space<hbm>>) target_semaphore(%run_scoped3A : memref<!tpu.dma_semaphore, #tpu.memory_space<semaphore_mem>>)
      %dma_wait3A_78 = arith.constant 0 : i32
      %dma_wait3A_79 = arith.constant 0 : i32
      %dma_wait3A_80 = tpu.memref_slice %arg7[%arg0, %dma_wait3A_78, %dma_wait3A_79] : memref<2x10112x128xf32, #tpu.memory_space<hbm>> -> memref<1x10112x128xf32, #tpu.memory_space<hbm>>
      %dma_wait3A_81 = tpu.memref_squeeze %dma_wait3A_80 : memref<1x10112x128xf32, #tpu.memory_space<hbm>> -> memref<10112x128xf32, #tpu.memory_space<hbm>>
      %dma_wait3A_82 = arith.constant 0 : i32
      %dma_wait3A_83 = tpu.memref_slice %dma_wait3A_81[%mul3A_65, %dma_wait3A_82] : memref<10112x128xf32, #tpu.memory_space<hbm>> -> memref<632x128xf32, #tpu.memory_space<hbm>>
      %dma_wait3A_84 = arith.constant 0 : i32
      %dma_wait3A_85 = tpu.memref_slice %arg13[%mul3A_63, %dma_wait3A_84] : memref<10112x128xf32, #tpu.memory_space<vmem_shared>> -> memref<632x128xf32, #tpu.memory_space<vmem_shared>>
      tpu.wait_dma2 semaphore(%run_scoped3A : memref<!tpu.dma_semaphore, #tpu.memory_space<semaphore_mem>>) src(%dma_wait3A_85 : memref<632x128xf32, #tpu.memory_space<vmem_shared>>) dst(%dma_wait3A_83 : memref<632x128xf32, #tpu.memory_space<hbm>>)
      tpu.yield
    }) : () -> ()
    %eq3A_66 = arith.constant 0 : i32
    %eq3A_67 = arith.cmpi eq, %arg1, %eq3A_66 : i32
    %convert_element_type3A_68 = arith.extui %eq3A_67 : i1 to i32
    %cond3A_69 = arith.constant 0 : i32
    %cond3A_70 = arith.cmpi ne, %convert_element_type3A_68, %cond3A_69 : i32
    scf.if %cond3A_70 {
      "tpu.region"() ({
        %run_scoped3A = tpu.sem_alloc : memref<!tpu.dma_semaphore, #tpu.memory_space<semaphore_mem>>
        %dma_start3A = arith.constant 0 : i32
        %dma_start3A_71 = tpu.memref_slice %arg8[%arg0, %dma_start3A] : memref<2x10112xf32, #tpu.memory_space<hbm>> -> memref<1x10112xf32, #tpu.memory_space<hbm>>
        %dma_start3A_72 = tpu.memref_squeeze %dma_start3A_71 : memref<1x10112xf32, #tpu.memory_space<hbm>> -> memref<10112xf32, #tpu.memory_space<hbm>>
        tpu.enqueue_dma source(%arg14 : memref<10112xf32, #tpu.memory_space<vmem_shared>>) target(%dma_start3A_72 : memref<10112xf32, #tpu.memory_space<hbm>>) target_semaphore(%run_scoped3A : memref<!tpu.dma_semaphore, #tpu.memory_space<semaphore_mem>>)
        %dma_wait3A_73 = arith.constant 0 : i32
        %dma_wait3A_74 = tpu.memref_slice %arg8[%arg0, %dma_wait3A_73] : memref<2x10112xf32, #tpu.memory_space<hbm>> -> memref<1x10112xf32, #tpu.memory_space<hbm>>
        %dma_wait3A_75 = tpu.memref_squeeze %dma_wait3A_74 : memref<1x10112xf32, #tpu.memory_space<hbm>> -> memref<10112xf32, #tpu.memory_space<hbm>>
        tpu.wait_dma2 semaphore(%run_scoped3A : memref<!tpu.dma_semaphore, #tpu.memory_space<semaphore_mem>>) src(%arg14 : memref<10112xf32, #tpu.memory_space<vmem_shared>>) dst(%dma_wait3A_75 : memref<10112xf32, #tpu.memory_space<hbm>>)
        tpu.yield
      }) : () -> ()
    } else {
    }
    return
  }
}

module attributes {stable_mosaic.version = 14 : i64} {
  func.func @body(%arg0: i32, %arg1: memref<2000x128xf32, #tpu.memory_space<vmem>>, %arg2: memref<1x2000x128xf32, #tpu.memory_space<vmem>>, %arg3: memref<1x2000x128xf32, #tpu.memory_space<vmem>>, %arg4: memref<2000x2xf32, #tpu.memory_space<vmem>>, %arg5: memref<128x128xf32, #tpu.memory_space<vmem>>, %arg6: memref<1x128xf32, #tpu.memory_space<vmem>>, %arg7: memref<128x128xf32, #tpu.memory_space<vmem>>, %arg8: memref<1x128xf32, #tpu.memory_space<vmem>>, %arg9: memref<2000x128xf32, #tpu.memory_space<vmem>>) attributes {dimension_semantics = [#tpu.dimension_semantics<arbitrary>], iteration_bounds = array<i64: 5>, scalar_prefetch = 0 : i64, scratch_operands = 0 : i64, tpu.core_type = #tpu.core_type<tc>, window_params = [{transform_indices = @transform_0, window_bounds = array<i64: 2000, 128>}, {transform_indices = @transform_1, window_bounds = array<i64: 1, 2000, 128>}, {transform_indices = @transform_2, window_bounds = array<i64: 1, 2000, 128>}, {transform_indices = @transform_3, window_bounds = array<i64: 2000, 2>}, {pipeline_mode = #tpu.pipeline_mode<synchronous>, transform_indices = @transform_4, window_bounds = array<i64: 128, 128>}, {pipeline_mode = #tpu.pipeline_mode<synchronous>, transform_indices = @transform_5, window_bounds = array<i64: 1, 128>}, {pipeline_mode = #tpu.pipeline_mode<synchronous>, transform_indices = @transform_6, window_bounds = array<i64: 128, 128>}, {pipeline_mode = #tpu.pipeline_mode<synchronous>, transform_indices = @transform_7, window_bounds = array<i64: 1, 128>}, {transform_indices = @transform_8, window_bounds = array<i64: 2000, 128>}]} {
    %get3A = arith.constant 0 : index
    %get3A_0 = arith.constant 0 : index
    %get3A_1 = vector.load %arg1[%get3A, %get3A_0] : memref<2000x128xf32, #tpu.memory_space<vmem>>, vector<2000x128xf32>
    %get3A_2 = arith.constant 0 : index
    %get3A_3 = arith.constant 0 : index
    %get3A_4 = arith.constant 0 : index
    %get3A_5 = vector.load %arg2[%get3A_2, %get3A_3, %get3A_4] : memref<1x2000x128xf32, #tpu.memory_space<vmem>>, vector<1x2000x128xf32>
    %get3A_6 = vector.shape_cast %get3A_5 : vector<1x2000x128xf32> to vector<2000x128xf32>
    %get3A_7 = arith.constant 0 : index
    %get3A_8 = arith.constant 0 : index
    %get3A_9 = arith.constant 0 : index
    %get3A_10 = vector.load %arg3[%get3A_7, %get3A_8, %get3A_9] : memref<1x2000x128xf32, #tpu.memory_space<vmem>>, vector<1x2000x128xf32>
    %get3A_11 = vector.shape_cast %get3A_10 : vector<1x2000x128xf32> to vector<2000x128xf32>
    %add3A = arith.addf %get3A_6, %get3A_11 : vector<2000x128xf32>
    %get3A_12 = arith.constant 0 : index
    %get3A_13 = arith.constant 0 : index
    %get3A_14 = vector.load %arg4[%get3A_12, %get3A_13] : memref<2000x2xf32, #tpu.memory_space<vmem>>, vector<2000x1xf32>
    %get3A_15 = arith.constant 0 : index
    %get3A_16 = arith.constant 1 : index
    %get3A_17 = vector.load %arg4[%get3A_15, %get3A_16] : memref<2000x2xf32, #tpu.memory_space<vmem>>, vector<2000x1xf32>
    %add3A_18 = arith.addf %get3A_14, %get3A_17 : vector<2000x1xf32>
    %max3A = arith.constant 1.000000e+00 : f32
    %max3A_19 = vector.broadcast %max3A : f32 to vector<2000x1xf32>
    %max3A_20 = arith.maximumf %add3A_18, %max3A_19 : vector<2000x1xf32>
    %div3A = vector.broadcast %max3A_20 : vector<2000x1xf32> to vector<2000x128xf32>
    %div3A_21 = arith.divf %add3A, %div3A : vector<2000x128xf32>
    %get3A_22 = arith.constant 0 : index
    %get3A_23 = arith.constant 0 : index
    %get3A_24 = vector.load %arg5[%get3A_22, %get3A_23] : memref<128x128xf32, #tpu.memory_space<vmem>>, vector<128x128xf32>
    %dot_general3A = arith.constant dense<0.000000e+00> : vector<2000x128xf32>
    %dot_general3A_25 = tpu.matmul %get3A_1, %get3A_24, %dot_general3A {dimension_numbers = #tpu.dot_dimension_numbers<[1], [1], [0], [0], [0, 0, 1, 0], [], []>, transpose_lhs_hint = false} : vector<2000x128xf32>, vector<128x128xf32>, vector<2000x128xf32> -> vector<2000x128xf32>
    %get3A_26 = arith.constant 0 : index
    %get3A_27 = arith.constant 0 : index
    %get3A_28 = vector.load %arg6[%get3A_26, %get3A_27] : memref<1x128xf32, #tpu.memory_space<vmem>>, vector<1x128xf32>
    %add3A_29 = vector.broadcast %get3A_28 : vector<1x128xf32> to vector<2000x128xf32>
    %add3A_30 = arith.addf %dot_general3A_25, %add3A_29 : vector<2000x128xf32>
    %get3A_31 = arith.constant 0 : index
    %get3A_32 = arith.constant 0 : index
    %get3A_33 = vector.load %arg7[%get3A_31, %get3A_32] : memref<128x128xf32, #tpu.memory_space<vmem>>, vector<128x128xf32>
    %dot_general3A_34 = arith.constant dense<0.000000e+00> : vector<2000x128xf32>
    %dot_general3A_35 = tpu.matmul %div3A_21, %get3A_33, %dot_general3A_34 {dimension_numbers = #tpu.dot_dimension_numbers<[1], [1], [0], [0], [0, 0, 1, 0], [], []>, transpose_lhs_hint = false} : vector<2000x128xf32>, vector<128x128xf32>, vector<2000x128xf32> -> vector<2000x128xf32>
    %get3A_36 = arith.constant 0 : index
    %get3A_37 = arith.constant 0 : index
    %get3A_38 = vector.load %arg8[%get3A_36, %get3A_37] : memref<1x128xf32, #tpu.memory_space<vmem>>, vector<1x128xf32>
    %add3A_39 = vector.broadcast %get3A_38 : vector<1x128xf32> to vector<2000x128xf32>
    %add3A_40 = arith.addf %dot_general3A_35, %add3A_39 : vector<2000x128xf32>
    %gt3A = arith.constant 0.000000e+00 : f32
    %gt3A_41 = vector.broadcast %gt3A : f32 to vector<2000x1xf32>
    %gt3A_42 = arith.cmpf ogt, %add3A_18, %gt3A_41 : vector<2000x1xf32>
    %jit3A = arith.constant 0.000000e+00 : f32
    %broadcast_in_dim3A = vector.shape_cast %gt3A_42 : vector<2000x1xi1> to vector<2000x1xi1>
    %broadcast_in_dim3A_43 = vector.broadcast %broadcast_in_dim3A : vector<2000x1xi1> to vector<2000x128xi1>
    %broadcast_in_dim3A_44 = vector.broadcast %jit3A : f32 to vector<2000x128xf32>
    %select_n3A = arith.select %broadcast_in_dim3A_43, %add3A_40, %broadcast_in_dim3A_44 : vector<2000x128xi1>, vector<2000x128xf32>
    %add3A_45 = arith.addf %add3A_30, %select_n3A : vector<2000x128xf32>
    %max3A_46 = arith.constant 0.000000e+00 : f32
    %max3A_47 = vector.broadcast %max3A_46 : f32 to vector<2000x128xf32>
    %max3A_48 = arith.maximumf %add3A_45, %max3A_47 : vector<2000x128xf32>
    %swap3A = arith.constant 0 : index
    %swap3A_49 = arith.constant 0 : index
    %swap3A_50 = vector.load %arg9[%swap3A, %swap3A_49] : memref<2000x128xf32, #tpu.memory_space<vmem>>, vector<2000x128xf32>
    tpu.vector_store %arg9[%swap3A, %swap3A_49], %max3A_48 {strides = array<i32>} : memref<2000x128xf32, #tpu.memory_space<vmem>>, vector<2000x128xf32>,
    return
  }
  func.func @transform_0(%arg0: i32) -> (i32, i32) {
    %c0_i32 = arith.constant 0 : i32
    %c0_i32_0 = arith.constant 0 : i32
    return %arg0, %c0_i32 : i32, i32
  }
  func.func @transform_1(%arg0: i32) -> (i32, i32, i32) {
    %c0_i32 = arith.constant 0 : i32
    %c0_i32_0 = arith.constant 0 : i32
    %c0_i32_1 = arith.constant 0 : i32
    return %c0_i32, %arg0, %c0_i32_0 : i32, i32, i32
  }
  func.func @transform_2(%arg0: i32) -> (i32, i32, i32) {
    %c1_i32 = arith.constant 1 : i32
    %c0_i32 = arith.constant 0 : i32
    %c0_i32_0 = arith.constant 0 : i32
    return %c1_i32, %arg0, %c0_i32 : i32, i32, i32
  }
  func.func @transform_3(%arg0: i32) -> (i32, i32) {
    %c0_i32 = arith.constant 0 : i32
    %c0_i32_0 = arith.constant 0 : i32
    return %arg0, %c0_i32 : i32, i32
  }
  func.func @transform_4(%arg0: i32) -> (i32, i32) {
    %c0_i32 = arith.constant 0 : i32
    %c0_i32_0 = arith.constant 0 : i32
    %c0_i32_1 = arith.constant 0 : i32
    return %c0_i32, %c0_i32_0 : i32, i32
  }
  func.func @transform_5(%arg0: i32) -> (i32, i32) {
    %c0_i32 = arith.constant 0 : i32
    %c0_i32_0 = arith.constant 0 : i32
    %c0_i32_1 = arith.constant 0 : i32
    return %c0_i32, %c0_i32_0 : i32, i32
  }
  func.func @transform_6(%arg0: i32) -> (i32, i32) {
    %c0_i32 = arith.constant 0 : i32
    %c0_i32_0 = arith.constant 0 : i32
    %c0_i32_1 = arith.constant 0 : i32
    return %c0_i32, %c0_i32_0 : i32, i32
  }
  func.func @transform_7(%arg0: i32) -> (i32, i32) {
    %c0_i32 = arith.constant 0 : i32
    %c0_i32_0 = arith.constant 0 : i32
    %c0_i32_1 = arith.constant 0 : i32
    return %c0_i32, %c0_i32_0 : i32, i32
  }
  func.func @transform_8(%arg0: i32) -> (i32, i32) {
    %c0_i32 = arith.constant 0 : i32
    %c0_i32_0 = arith.constant 0 : i32
    return %arg0, %c0_i32 : i32, i32
  }
}

</mosaic_0001>

<sc_bundles>
// kernel: kernel.4.cloned.1.call-start
scs
__scs_entry_jumppad:
0x0: {  	(pc) =	sbr.rel $0x88, $3  }
0x1: {  	(tag) =	ssettag $0x0;
	lr =	simm.s32 $0x1  }
0x2: {  	[smem:$0x3F9B] =	sst lr;
	_ =	strace $0xD0000000  }
0x3: {  	_ = 	snop  }
0x4: {  	_ = 	snop  }
0x5: {  	_ = 	snop  }
0x6: {  	_ = 	snop  }
0x7: {  	_ = 	snop  }
__scs_overlays_trampoline_lowered:
0x8: {  	[smem:$0x3FAA] =	sst s0  }
0x9: {  	[smem:$0x3FAB] =	sst s1  }
0xa: {  	[smem:$0x3FAC] =	sst s2  }
0xb: {  	[smem:$0x3FAD] =	sst s3  }
0xc: {  	[smem:$0x3FAE] =	sst s4  }
0xd: {  	[smem:$0x3FAF] =	sst s5  }
0xe: {  	[smem:$0x3FB0] =	sst s6  }
0xf: {  	[smem:$0x3FB1] =	sst s7  }
0x10: {  	[smem:$0x3FB2] =	sst s8  }
0x11: {  	[smem:$0x3FB3] =	sst s9;
	s0 =	simm.s32 @!p0 $0x0  }
0x12: {  	s1 =	sld [smem:$0x3F99];
	s0 =	simm.s32 @p0 $0x1  }
0x13: {  	[smem:$0x3FB4] =	sst s0;
	s0 =	simm.s32 @!p1 $0x0  }
0x14: {  	s2 =	sld [smem:$0x3F98];
	s0 =	simm.s32 @p1 $0x1  }
0x15: {  	[smem:$0x3FB5] =	sst s0;
	s0 =	simm.s32 @!p2 $0x0  }
0x16: {  	s3 =	sld [smem:$0x3FDB];
	s0 =	simm.s32 @p2 $0x1  }
0x17: {  	s4 =	simm.s32 $0x1BF5;
	[smem:$0x3FB7] =	sst s0  }
0x18: {  	s0 =	sld [smem:$0x3F9A];
	_ =	swait.ge [sflag:s4], $0x0  }
0x19: {  	s7 =	sld [smem:$0x3F9B]  }
0x1a: {  	s8 =	sadd.s32 $0xFFFFE003, lr  }
0x1b: {  	s9 =	sadd.s32 $0xFFFFFEF7, lr;
	s5 =	simm.s32 $0xFFFFFFFF;
	p2 =	slt.u32 s8, $0xFFFFF086  }
0x1c: {  	p1 =	slt.u32 s9, $0xF7A;
	s5 =	simm.s32 @!p2 $0x0  }
0x1d: {  	s5 =	simm.s32 @p1 $0x1;
	p0 =	seq.s32 s7, s2  }
0x1e: {  	s7 =	smul.u32 @!p0 $0xF7A, s2;
	p2 =	seq.s32 @!p0 s5, $0x0  }
0x1f: {  	s9 =	smul.u32 $0xF7A, s1;
	s8 =	simm.s32 @!p0 $0x1BF5;
	p2 =	por !p2, p0  }
0x20: {  	[sflag:s8] =	ssyncset.s32 @!p0 $0xFFFFF086;
	s6 =	sadd.s32 @!p0 s3, s7;
	s7 =	simm.s32 @!p0 $0x108  }
0x21: {  	s3 =	sadd.s32 s3, s9;
	s6 =	sadd.s32 @!p0 $0x88, s6;
	s7 =	simm.s32 @p2 $0x1082  }
0x22: {  	[simem:s7], [sflag:s8] =	dma.local @!p0 [hbm:s6], $0xF7A  }
0x23: {  	s9 =	sor.u32 $0xD0000000, s2;
	s6 =	simm.s32 $0x108;
	_ =	swait.ge @!p0 [sflag:s8], $0x0  }
0x24: {  	s3 =	sadd.s32 $0x88, s3;
	s6 =	simm.s32 @!p1 $0x1082;
	[sflag:s4] =	ssyncset.s32 $0xFFFFF086  }
0x25: {  	[simem:s6], [sflag:s4] =	dma.local [hbm:s3], $0xF7A  }
0x26: {  	[smem:$0x3F9B] =	sst s1;
	(tag) =	ssettag s2;
	_ =	strace s9  }
0x27: {  	s1 =	sld [smem:$0x3FAB]  }
0x28: {  	s2 =	sld [smem:$0x3FAC]  }
0x29: {  	s4 =	sld [smem:$0x3FAE]  }
0x2a: {  	p0 =	seq.s32 s5, $0x0;
	s5 =	sld [smem:$0x3FAF]  }
0x2b: {  	s6 =	sld [smem:$0x3FB0]  }
0x2c: {  	s7 =	sld [smem:$0x3FB1]  }
0x2d: {  	s3 =	simm.s32 $0x108;
	s8 =	sld [smem:$0x3FB2]  }
0x2e: {  	s3 =	simm.s32 @!p0 $0x1082;
	s9 =	sld [smem:$0x3FB3]  }
0x2f: {  	lr =	sadd.s32 s0, s3;
	s0 =	sld [smem:$0x3FAA]  }
0x30: {  	s3 =	sld [smem:$0x3FAD]  }
0x31: {  	[smem:$0x3FB6] =	sst s10  }
0x32: {  	s10 =	sld [smem:$0x3FB4];
	_ =	sdelay $0x3  }
0x33: {  	p0 =	seq.s32 s10, $0x1;
	s10 =	sld [smem:$0x3FB6];
	_ =	sdelay $0x3  }
0x34: {  	[smem:$0x3FB6] =	sst s10  }
0x35: {  	s10 =	sld [smem:$0x3FB5];
	_ =	sdelay $0x3  }
0x36: {  	p1 =	seq.s32 s10, $0x1;
	s10 =	sld [smem:$0x3FB6];
	_ =	sdelay $0x3  }
0x37: {  	[smem:$0x3FB6] =	sst s10  }
0x38: {  	s10 =	sld [smem:$0x3FB7]  }
0x39: {  	_ = 	snop;
	(pc) =	sbr.ind lr, $3  }
0x3a: {  	_ = 	snop  }
0x3b: {  	_ = 	snop  }
0x3c: {  	p2 =	seq.s32 s10, $0x1;
	s10 =	sld [smem:$0x3FB6]  }
0x3d: {  	_ =	shalt  }
0x3e: {  	_ =	shalt  }
0x3f: {  	_ =	shalt  }
0x40: {  	_ =	shalt  }
0x41: {  	_ =	shalt  }
0x42: {  	_ =	shalt  }
0x43: {  	_ =	shalt  }
0x44: {  	_ =	shalt  }
0x45: {  	_ =	shalt  }
0x46: {  	_ =	shalt  }
0x47: {  	_ =	shalt  }
0x48: {  	_ =	shalt  }
0x49: {  	_ =	shalt  }
0x4a: {  	_ =	shalt  }
0x4b: {  	_ =	shalt  }
0x4c: {  	_ =	shalt  }
0x4d: {  	_ =	shalt  }
0x4e: {  	_ =	shalt  }
0x4f: {  	_ =	shalt  }
0x50: {  	_ =	shalt  }
0x51: {  	_ =	shalt  }
0x52: {  	_ =	shalt  }
0x53: {  	_ =	shalt  }
0x54: {  	_ =	shalt  }
0x55: {  	_ =	shalt  }
0x56: {  	_ =	shalt  }
0x57: {  	_ =	shalt  }
0x58: {  	_ =	shalt  }
0x59: {  	_ =	shalt  }
0x5a: {  	_ =	shalt  }
0x5b: {  	_ =	shalt  }
0x5c: {  	_ =	shalt  }
0x5d: {  	_ =	shalt  }
0x5e: {  	_ =	shalt  }
0x5f: {  	_ =	shalt  }
0x60: {  	_ =	shalt  }
0x61: {  	_ =	shalt  }
0x62: {  	_ =	shalt  }
0x63: {  	_ =	shalt  }
0x64: {  	_ =	shalt  }
0x65: {  	_ =	shalt  }
0x66: {  	_ =	shalt  }
0x67: {  	_ =	shalt  }
0x68: {  	_ =	shalt  }
0x69: {  	_ =	shalt  }
0x6a: {  	_ =	shalt  }
0x6b: {  	_ =	shalt  }
0x6c: {  	_ =	shalt  }
0x6d: {  	_ =	shalt  }
0x6e: {  	_ =	shalt  }
0x6f: {  	_ =	shalt  }
0x70: {  	_ =	shalt  }
0x71: {  	_ =	shalt  }
0x72: {  	_ =	shalt  }
0x73: {  	_ =	shalt  }
0x74: {  	_ =	shalt  }
0x75: {  	_ =	shalt  }
0x76: {  	_ =	shalt  }
0x77: {  	_ =	shalt  }
0x78: {  	_ =	shalt  }
0x79: {  	_ =	shalt  }
0x7a: {  	_ =	shalt  }
0x7b: {  	_ =	shalt  }
0x7c: {  	_ =	shalt  }
0x7d: {  	_ =	shalt  }
0x7e: {  	_ =	shalt  }
0x7f: {  	_ =	shalt  }
0x80: {  	_ =	shalt  }
0x81: {  	_ =	shalt  }
0x82: {  	_ =	shalt  }
0x83: {  	_ =	shalt  }
0x84: {  	_ =	shalt  }
0x85: {  	_ =	shalt  }
0x86: {  	_ =	shalt  }
0x87: {  	_ =	shalt  }
.Lfunc_end0:
.L_simem_size_0:
called_computation_lowered:
.L_overlay_start_0:
0x88: {  	s2 =	sld [smem:$0x3FD9]  }
0x89: {  	s3 =	sld [smem:$0x3FFE];
	_ =	sdelay $0x1  }
0x8a: {  	s1 =	srdreg.scid  }
0x8b: {  	s0 =	sand.u32 $0x1, s1  }
0x8c: {  	s17 =	sshll.u32 s0, $0xA;
	s2 =	sadd.s32 s3, s2  }
0x8d: {  	s2 =	sadd.s32 s2, s17  }
0x8e: {  	[smem:$0x3FC2] =	sst s2  }
0x8f: {  	_ = 	snop  }
0x90: {  	s2 =	sld [smem:$0x3FC9]  }
0x91: {  	s18 =	sld [smem:$0x3FD0];
	(tm) =	ssettm $0x1  }
0x92: {  	s4 =	sld [smem:$0x3FFB];
	_ =	sdelay $0x3  }
0x93: {  	_ =	strace s4  }
0x94: {  	s4 =	sld [smem:$0x3FFC];
	_ =	sdelay $0x3  }
0x95: {  	_ =	strace s4  }
0x96: {  	s4 =	sld [smem:$0x3FFD];
	_ =	sdelay $0x3  }
0x97: {  	_ =	strace s4  }
0x98: {  	_ =	strace $0x8FFFFFFF  }
0x99: {  	s19 =	sld [smem:$0x3FDB];
	_ =	sdelay $0x1  }
0x9a: {  	s5 =	simm.s32 $_scs_section_size  }
0x9b: {  	s6 =	simm.s32 $_size__tile_overlayer_lowered;
	s7 =	simm.s32 $_tile_overlayer_lowered  }
0x9c: {  	s22 =	simm.s32 $0x1BFF;
	s21 =	sshll.u32 s7, $0x1;
	s4 =	sadd.s32 s5, s19  }
0x9d: {  	s8 =	simm.s32 $0x0;
	s20 =	sshll.u32 s6, $0x1;
	s6 =	sadd.s32 s21, s4  }
0x9e: {  	[timem:s8], [sflag:s22] =	dma.local [hbm:s6], s20  }
0x9f: {  	_ =	swait.ge [sflag:s22], s20  }
0xa0: {  	s5 =	ssub.s32 $0x0, s20;
	[sflag:s22] =	ssyncset.done $0x0  }
0xa1: {  	[sflag:s22] =	ssyncadd.s32 s5;
	_ =	sdelay $0x1  }
0xa2: {  	s23 =	simm.s32 $0x1B8B  }
0xa3: {  	_ =	swait.ge [sflag:s23], $0x1  }
0xa4: {  	[sflag:s23] =	ssyncset.done $0x0  }
0xa5: {  	s25 =	simm.s32 $0x1B8E;
	s24 =	sld [smem:$0x3FFE];
	[sflag:s23] =	ssyncadd.s32 $0xFFFFFFFF  }
0xa6: {  	s26 =	simm.s32 $execute0_lowered;
	[smem:$0x3FD2] =	sst s25  }
0xa7: {  	s6 =	sshll.u32 s26, $0x1;
	_ =	strace $0x80000046;
	[dreg:$0x1] =	wrdreg $0xFFFFFFFF  }
0xa8: {  	s28 =	simm.s32 $_size_execute0_lowered;
	s4 =	sadd.s32 s4, s6;
	[dreg:$0x0] =	wrdreg $0x0  }
0xa9: {  	s6 =	sshll.u32 s28, $0x1;
	[dreg:$0x2] =	wrdreg s4  }
0xaa: {  	[dreg:$0x3] =	wrdreg s6  }
0xab: {  	[dreg:$0x4] =	wrdreg $0xC0  }
0xac: {  	_ =	task [dreg:s8], $0x5FFFF  }
0xad: {  	[dreg:$0x1] =	wrdreg $0xFFFFFFFF  }
0xae: {  	[dreg:$0x0] =	wrdreg $0x60  }
0xaf: {  	[dreg:$0x2] =	wrdreg s2  }
0xb0: {  	[dreg:$0x3] =	wrdreg s18  }
0xb1: {  	[dreg:$0x4] =	wrdreg s24  }
0xb2: {  	[dreg:$0x5] =	wrdreg $0x90800  }
0xb3: {  	[dreg:$0x6] =	wrdreg $0x1CC800  }
0xb4: {  	[dreg:$0x7] =	wrdreg $0x9  }
0xb5: {  	_ =	task.clear_ibuf [dreg:s8], $0x8FFFF;
	_ =	strace $0x90000046  }
0xb6: {  	s29 =	simm.s32 $0x9;
	_ =	strace $0x80000048  }
0xb7: {  	_ =	swait.ge [sflag:s29], $0x1  }
0xb8: {  	[sflag:s29] =	ssyncadd.s32 $0xFFFFFFFF  }
0xb9: {  	_ =	strace $0x90000048  }
0xba: {  	_ =	sfence  }
0xbb: {  	s30 =	sld [smem:$0x0];
	_ =	sdelay $0x2  }
0xbc: {  	s31 =	sshll.u32 s1, $0xD;
	s1 =	sshrl.u32 s1, $0x2  }
0xbd: {  	s3 =	sand.u32 $0x4000, s31;
	s1 =	sadd.s32 s1, s30  }
0xbe: {  	s0 =	sor.u32 s3, s0;
	s1 =	sshll.u32 s1, $0x11  }
0xbf: {  	s0 =	sor.u32 s1, s0  }
0xc0: {  	s0 =	sadd.s32 $0x8F2B, s0  }
0xc1: {  	[sflag:s0] =	ssyncadd.remote.s32 $0x1  }
0xc2: {  	_ =	sfence.sel $0xFFFF  }
0xc3: {  	[dreg:$0x0] =	wrdreg $0xFFFFFFFF;
	(pc) =	sbr.abs _section_cstart, $3  }
0xc4: {  	[dreg:$0x1] =	wrdreg $0xFFFFFFFF  }
0xc5: {  	_ =	task.clear_ibuf [dreg:s8], $0x2FFFF;
	_ =	strace $0x9FFFFFFF  }
0xc6: {  	(tm) =	ssettm $0x7FFFFFFF  }
0xc7: {  	_ =	shalt  }
tec
execute0_lowered:
.L_overlay_start_1:
0x0: {  	(tag) =	ssettag $0x1  }
0x1: {  	s0 =	rddreg [dreg:$0x0]  }
0x2: {  	s8 =	rddreg [dreg:$0x1]  }
0x3: {  	s7 =	rddreg [dreg:$0x2]  }
0x4: {  	s1 =	rddreg [dreg:$0x3]  }
0x5: {  	s2 =	srdreg.scid;
	s12 =	stileid.u32  }
0x6: {  	s3 =	rddreg [dreg:$0x4];
	s4 =	simm.s32 $0x0;
	s18 =	simm.s32 $0x1  }
0x7: {  	s19 =	simm.s32 $0x9000;
	s9 =	sand.u32 $0x1, s2;
	s2 =	rddreg [dreg:$0x5]  }
0x8: {  	s20 =	simm.s32 $0x2;
	s5 =	sshll.u32 s12, $0x1;
	[smem:$0x7FF] =	sst s4  }
0x9: {  	s6 =	sadd.s32 $0xB400, s7;
	s15 =	smul.u32 $0x4F000, s12;
	s16 =	sshll.u32 s12, $0x6  }
0xa: {  	s22 =	smul.u32 $0x2780, s12;
	p0 =	sne.s32 s12, $0x0;
	s5 =	sor.u32 s9, s5  }
0xb: {  	_ =	strace $0x80000047;
	s13 =	smul.u32 $0x27800, s9;
	s14 =	sshll.u32 s9, $0x4  }
0xc: {  	s31 =	ssub.s32 $0x2, s9;
	s10 =	smul.u32 $0x500, s5;
	s5 =	sadd.s32 $0xBA00, s7  }
0xd: {  	s14 =	sadd.s32 s14, s7;
	s9 =	sshrl.u32 s31, $0x1;
	s15 =	sshrl.u32 s15, $0x2  }
0xe: {  	s13 =	sadd.s32 s13, s7;
	s17 =	ssub.s32 s31, s9;
	s15 =	sadd.s32 s15, s1  }
0xf: {  	s11 =	sadd.s32 s10, s7;
	s7 =	sor.u32 $0x1C03, s16;
	s8 =	sadd.s32 s8, s10  }
0x10: {  	s21 =	sadd.s32 $0xEC00, s13;
	s10 =	sadd.s32 $0xE200, s14;
	s12 =	sshrl.u32 s15, $0x3  }
0x11: {  	s13 =	simm.s32 $0x3;
	s14 =	sshrl.u32 @!p0 s3, $0x3;
	s15 =	simm.s32 $0x2800  }
0x12: {  	s16 =	simm.s32 $0x80;
	s9 =	sadd.s32 $0x1400, s11;
	s11 =	smax.u32 s17, $0x1  }
0x13: {  	v0 =	vimm.f32 $1.000000000e+00;
	s17 =	simm.s32 $0x5000;
	s21 =	sadd.s32 s22, s21;
	s22 =	simm.s32 $0x0  }
.LBB2_1:
0x14: {  	[spmem:s12], [sflag:s7] =	dma.local [hbm:s5], $0x2780  }
0x15: {  	_ =	swait.ge [sflag:s13], $0x2780  }
0x16: {  	[sflag:s13] =	ssyncset.done $0x0  }
0x17: {  	s23 =	simm.s32 @!p0 $0x3;
	[sflag:s13] =	ssyncadd.s32 $0xFFFFD880  }
0x18: {  	[spmem:s14], [sflag:s7] =	dma.local @!p0 [hbm:s6], $0x4F0  }
0x19: {  	_ =	swait.ge @!p0 [sflag:s23], $0x4F0  }
0x1a: {  	[sflag:s23] =	ssyncset.done @!p0 $0x0  }
0x1b: {  	[sflag:s23] =	ssyncadd.s32 @!p0 $0xFFFFFB10  }
0x1c: {  	[tilespmem:$0x9000] =	vst v0  }
0x1d: {  	[tilespmem:$0x9010] =	vst v0  }
0x1e: {  	[tilespmem:$0x9020] =	vst v0  }
0x1f: {  	[tilespmem:$0x9030] =	vst v0  }
0x20: {  	[tilespmem:$0x9040] =	vst v0  }
0x21: {  	[tilespmem:$0x9050] =	vst v0  }
0x22: {  	[tilespmem:$0x9060] =	vst v0  }
0x23: {  	[tilespmem:$0x9070] =	vst v0  }
0x24: {  	[tilespmem:s4], [sflag:$0x3] =	stream.linear.gather [hbm4b:s8+s4], $0x2780, $0x38;
	[tilespmem:$0x1CEF8] =	vst v63  }
0x25: {  	_ =	swait.ge [sflag:s13], $0x2780  }
0x26: {  	[sflag:s13] =	ssyncset.done $0x0  }
0x27: {  	[sflag:s13] =	ssyncadd.s32 $0xFFFFD880  }
0x28: {  	[tilespmem:s15], [sflag:$0x3] =	stream.linear.gather [hbm4b:s9+s4], $0x2780, $0x38;
	[tilespmem:$0x1CEF8] =	vst v63  }
0x29: {  	_ =	swait.ge [sflag:s13], $0x2780  }
0x2a: {  	[sflag:s13] =	ssyncset.done $0x0  }
0x2b: {  	[sflag:s13] =	ssyncadd.s32 $0xFFFFD880  }
0x2c: {  	[bflag:$0x0] =	sbarrier.arrive $0xFFFF  }
0x2d: {  	[tilespmem:s17], [sflag:$0x1] =	stream.indirect.gather [hbm4b:s0+s16], $0x80, s4, s16, $0xb8;
	[tilespmem:$0x1CEF8] =	vst v63  }
0x2e: {  	_ =	swait.ge [sflag:s18], $0x4000  }
0x2f: {  	[sflag:s18] =	ssyncset.done $0x0  }
0x30: {  	[sflag:s18] =	ssyncadd.s32 $0xFFFFC000  }
0x31: {  	[spmem:s1] =	stream.indirect.scatter.add.f32 [tilespmem:s17], [sflag:$0x3], $0x80, s15, s16, $0xb8;
	[tilespmem:$0x1CEF8] =	vst v63  }
0x32: {  	_ =	swait.ge [sflag:s13], $0x4000  }
0x33: {  	[sflag:s13] =	ssyncset.done $0x0  }
0x34: {  	[sflag:s13] =	ssyncadd.s32 $0xFFFFC000  }
0x35: {  	[spmem:s3] =	stream.indirect.scatter.add.f32 [tilespmem:s19], [sflag:$0x2], $0x1, s15, s16, $0xb8;
	[tilespmem:$0x1CEF8] =	vst v63  }
0x36: {  	s31 =	simm.s32 $0x80  }
0x37: {  	[tilespmem:s17], [sflag:$0x1] =	stream.indirect.gather [hbm4b:s0+s16], $0x80, s31, s16, $0xb8;
	[tilespmem:$0x1CEF8] =	vst v63  }
0x38: {  	_ =	swait.ge [sflag:s18], $0x4000  }
0x39: {  	[sflag:s18] =	ssyncset.done $0x0  }
0x3a: {  	s24 =	simm.s32 $0x2880;
	[sflag:s18] =	ssyncadd.s32 $0xFFFFC000  }
0x3b: {  	[spmem:s1] =	stream.indirect.scatter.add.f32 [tilespmem:s17], [sflag:$0x3], $0x80, s24, s16, $0xb8;
	[tilespmem:$0x1CEF8] =	vst v63  }
0x3c: {  	_ =	swait.ge [sflag:s13], $0x4000  }
0x3d: {  	[sflag:s13] =	ssyncset.done $0x0  }
0x3e: {  	[sflag:s13] =	ssyncadd.s32 $0xFFFFC000  }
0x3f: {  	_ =	swait.ge [sflag:s20], $0x80  }
0x40: {  	[sflag:s20] =	ssyncset.done $0x0  }
0x41: {  	s23 =	simm.s32 $0x400;
	[sflag:s20] =	ssyncadd.s32 $0xFFFFFF80  }
.LBB2_2:
0x42: {  	[spmem:s3] =	stream.indirect.scatter.add.f32 [tilespmem:s19], [sflag:$0x2], $0x1, s24, s16, $0xb8;
	[tilespmem:$0x1CEF8] =	vst v63  }
0x43: {  	s24 =	sshra.s32 s23, $0x2;
	p1 =	sne.s32 s23, $0x9C00;
	s23 =	sadd.s32 $0x200, s23  }
0x44: {  	[tilespmem:s17], [sflag:$0x1] =	stream.indirect.gather [hbm4b:s0+s16], $0x80, s24, s16, $0xb8;
	[tilespmem:$0x1CEF8] =	vst v63  }
0x45: {  	_ =	swait.ge [sflag:s18], $0x4000  }
0x46: {  	[sflag:s18] =	ssyncset.done $0x0  }
0x47: {  	s24 =	sadd.s32 $0x2800, s24;
	[sflag:s18] =	ssyncadd.s32 $0xFFFFC000  }
0x48: {  	[spmem:s1] =	stream.indirect.scatter.add.f32 [tilespmem:s17], [sflag:$0x3], $0x80, s24, s16, $0xb8;
	[tilespmem:$0x1CEF8] =	vst v63  }
0x49: {  	_ =	swait.ge [sflag:s13], $0x4000  }
.Ltmp0:
0x4a: {  	[sflag:s13] =	ssyncset.done $0x0;
	(pc) =	sbr.rel @p1 .LBB2_2-.Ltmp0, $4  }
0x4b: {  	[sflag:s13] =	ssyncadd.s32 $0xFFFFC000  }
0x4c: {  	_ =	swait.ge [sflag:s20], $0x80  }
0x4d: {  	[sflag:s20] =	ssyncset.done $0x0  }
0x4e: {  	[sflag:s20] =	ssyncadd.s32 $0xFFFFFF80  }
0x4f: {  	[spmem:s3] =	stream.indirect.scatter.add.f32 [tilespmem:s19], [sflag:$0x2], $0x1, s24, s16, $0xb8;
	[tilespmem:$0x1CEF8] =	vst v63  }
0x50: {  	_ =	swait.ge [sflag:s20], $0x80  }
0x51: {  	[sflag:s20] =	ssyncset.done $0x0  }
0x52: {  	[sflag:s20] =	ssyncadd.s32 $0xFFFFFF80  }
0x53: {  	[bflag:$0x0] =	sbarrier.arrive $0xFFFF  }
0x54: {  	[hbm:s21], [sflag:s7] =	dma.local [spmem:s12], $0x2780  }
0x55: {  	s23 =	simm.s32 @!p0 $0x1;
	_ =	swait.ge [sflag:s13], $0x2780  }
0x56: {  	s24 =	simm.s32 @!p0 $0x20;
	s22 =	sadd.s32 $0x1, s22;
	[sflag:s13] =	ssyncset.done $0x0  }
0x57: {  	s25 =	simm.s32 @!p0 $0x10;
	p1 =	sne.s32 s22, s11;
	[sflag:s13] =	ssyncadd.s32 $0xFFFFD880  }
0x58: {  	[hbm:s10@s24], [sflag:s7] =	dma.strided @!p0 [spmem:s14@s25], $0x4F0, s23, $0x10   }
.Ltmp1:
0x59: {  	_ = 	snop;
	(pc) =	sbr.rel @p1 .LBB2_1-.Ltmp1, $4  }
0x5a: {  	s23 =	simm.s32 @!p0 $0x3  }
0x5b: {  	_ =	swait.ge @!p0 [sflag:s23], $0x4F0  }
0x5c: {  	[sflag:s23] =	ssyncset.done @!p0 $0x0  }
0x5d: {  	[sflag:s23] =	ssyncadd.s32 @!p0 $0xFFFFFB10  }
0x5e: {  	_ =	sfence.sel $0x180000  }
0x5f: {  	[bflag:$0x0] =	sbarrier.arrive $0xFFFF  }
0x60: {  	_ =	strace $0x90000047  }
0x61: {  	s0 =	sadd.s32 @!p0 $0x100000, s2;
	[bflag:$0x2] =	sbarrier.arrive $0xFFFF  }
0x62: {  	[sflag:s0] =	ssyncadd.tile.s32 @!p0 $0x1;
	_ =	shalt  }
.Lfunc_end2:
_tile_overlayer_lowered:
.L_overlay_start_2:
0x63: {  	(tag) =	ssettag $0x2  }
0x64: {  	s0 =	rddreg [dreg:$0x0];
	s2 =	stileid.u32  }
0x65: {  	s1 =	rddreg [dreg:$0x1];
	p0 =	sne.s32 s2, $0x0  }
0x66: {  	s3 =	rddreg [dreg:$0x2];
	[bflag:$0x3] =	sbarrier.arrive $0xFFFF;
	s2 =	simm.s32 @!p0 $0x1C03  }
0x67: {  	[timem:s3], [sflag:s2] =	dma.local @!p0 [hbm:s0], s1  }
0x68: {  	s0 =	simm.s32 @!p0 $0x3  }
0x69: {  	_ =	swait.ge @!p0 [sflag:s0], s1  }
0x6a: {  	s1 =	ssub.s32 @!p0 $0x0, s1;
	[sflag:s0] =	ssyncset.done @!p0 $0x0  }
0x6b: {  	[sflag:s0] =	ssyncadd.s32 @!p0 s1  }
0x6c: {  	[bflag:$0x3] =	sbarrier.arrive $0xFFFF  }
0x6d: {  	_ =	shalt  }

</sc_bundles>
